<compile_context>
chip_gen: v7x
topology: tpu7x:2x2x1
jax: 0.10.2.dev20260603
libtpu: 0.0.44.dev20260713+nightly
codegen_flags: <defaults>
</compile_context>

<pallas_src>
import functools

import jax
import jax.numpy as jnp
from jax import lax
from jax.experimental import pallas as pl
from jax.experimental.pallas import tpu as pltpu
from jax.experimental.pallas import tpu_sc as plsc

_CHUNK = 1600
_N_BATCH_CHUNKS = 1


def _sc_info():
    info = plsc.get_sparse_core_info()
    return info.num_cores, info.num_subcores


_T_COLS = 16384


@functools.lru_cache(maxsize=None)
def _make_transpose(vocab: int, d: int):
    grid = (vocab + _T_COLS - 1) // _T_COLS

    def transpose_body(t_ref, out_ref):
        out_ref[:, 0:d] = t_ref[...].T

    return pl.pallas_call(
        transpose_body,
        grid=(grid,),
        in_specs=[pl.BlockSpec((d, _T_COLS), lambda i: (0, i))],
        out_specs=pl.BlockSpec((_T_COLS, 128), lambda i: (i, 0)),
        out_shape=jax.ShapeDtypeStruct((vocab, 128), jnp.float32),
    )


@functools.lru_cache(maxsize=None)
def _make_gather(n_idx: int, d: int):
    nc, ns = _sc_info()
    nw = nc * ns
    assert n_idx % nw == 0
    per_w = n_idx // nw
    assert per_w % (2 * _CHUNK) == 0
    half = per_w // _CHUNK // 2

    mesh = plsc.VectorSubcoreMesh(core_axis_name="c", subcore_axis_name="s")

    @functools.partial(
        pl.kernel,
        mesh=mesh,
        out_type=jax.ShapeDtypeStruct((n_idx, d), jnp.float32),
        scratch_types=[
            pltpu.VMEM((_CHUNK,), jnp.int32),
            pltpu.VMEM((_CHUNK,), jnp.int32),
            pltpu.VMEM((_CHUNK, d), jnp.float32),
            pltpu.VMEM((_CHUNK, d), jnp.float32),
            pltpu.SemaphoreType.DMA,
            pltpu.SemaphoreType.DMA,
            pltpu.SemaphoreType.DMA,
            pltpu.SemaphoreType.DMA,
            pltpu.SemaphoreType.DMA,
            pltpu.SemaphoreType.DMA,
        ],
        compiler_params=pltpu.CompilerParams(
            use_tc_tiling_on_sc=False, needs_layout_passes=False),
    )
    def gather_kernel(idx_hbm, table_hbm, out_hbm, idx0, idx1, rows0, rows1,
                      si0, si1, sg0, sg1, ss0, ss1):
        wid = lax.axis_index("s") * nc + lax.axis_index("c")
        base = wid * per_w

        def idx_load(g, buf, sem):
            pltpu.async_copy(idx_hbm.at[pl.ds(base + g * _CHUNK, _CHUNK)],
                             buf, sem)

        def store(g, buf, sem):
            pltpu.async_copy(buf, out_hbm.at[pl.ds(base + g * _CHUNK, _CHUNK)],
                             sem)

        idx_load(0, idx0, si0)
        idx_load(1, idx1, si1)
        pltpu.make_async_copy(
            idx_hbm.at[pl.ds(base, _CHUNK)], idx0, si0).wait()
        pltpu.async_copy(table_hbm.at[idx0], rows0, sg0)

        def body(t, carry):
            @pl.when(t >= 1)
            def _():
                pltpu.make_async_copy(
                    rows1, out_hbm.at[pl.ds(base, _CHUNK)], ss1).wait()
            pltpu.make_async_copy(
                idx_hbm.at[pl.ds(base, _CHUNK)], idx1, si1).wait()
            pltpu.async_copy(table_hbm.at[idx1], rows1, sg1)
            pltpu.make_async_copy(table_hbm.at[idx0], rows0, sg0).wait()
            store(2 * t, rows0, ss0)

            @pl.when(t < half - 1)
            def _():
                idx_load(2 * t + 2, idx0, si0)

            @pl.when(t < half - 1)
            def _():
                pltpu.make_async_copy(
                    rows0, out_hbm.at[pl.ds(base, _CHUNK)], ss0).wait()
                pltpu.make_async_copy(
                    idx_hbm.at[pl.ds(base, _CHUNK)], idx0, si0).wait()
                pltpu.async_copy(table_hbm.at[idx0], rows0, sg0)
            pltpu.make_async_copy(table_hbm.at[idx1], rows1, sg1).wait()
            store(2 * t + 1, rows1, ss1)

            @pl.when(t < half - 1)
            def _():
                idx_load(2 * t + 3, idx1, si1)

            return carry

        lax.fori_loop(0, half, body, 0)

        pltpu.make_async_copy(rows0, out_hbm.at[pl.ds(base, _CHUNK)], ss0).wait()
        pltpu.make_async_copy(rows1, out_hbm.at[pl.ds(base, _CHUNK)], ss1).wait()

    return gather_kernel


def kernel(x, table):
    b, l = x.shape
    vocab, d = table.shape
    tpad = _make_transpose(vocab, d)(table.T)
    t_lin = tpad.reshape(vocab * 128 // d, d)
    cb = b // _N_BATCH_CHUNKS
    gather = _make_gather(cb * l, d)
    outs = []
    for i in range(_N_BATCH_CHUNKS):
        xi = x[i * cb:(i + 1) * cb].reshape(-1).astype(jnp.int32) * (128 // d)
        oi = gather(xi, t_lin)
        outs.append(oi.reshape(cb, l * d))
    return jnp.concatenate(outs, axis=0)

# --- scband reference (transcript-rebuilt; emitter-appended) ---
"""Pipeline reference for scband-text-mlp-16716012716520 (READ-ONLY COPY).

The authoritative reference and input builder live on the scoring server;
editing this copy changes nothing except your own understanding.
"""

import jax, jax.numpy as jnp
import numpy as np

VOCAB = 1000000
SEQ_LEN = 200
EMBED_DIM = 32  # hidden_size // 2
BATCH = 16384


def setup_inputs(seed: int = 0) -> dict:
    key = jax.random.key(seed)
    k1, k2 = jax.random.split(key)
    x = jax.random.randint(k1, (BATCH, SEQ_LEN), 0, VOCAB, dtype=jnp.int64 if jax.config.jax_enable_x64 else jnp.int32)
    table = jax.random.normal(k2, (VOCAB, EMBED_DIM), dtype=jnp.float32) * 0.02
    return {"x": x, "table": table}


def reference(x, table):
    # nn.Embedding: gather rows of table by index
    emb = jnp.take(table, x, axis=0)            # [B, L, D]
    # nn.Flatten: flatten all dims except batch
    out = emb.reshape(emb.shape[0], -1)          # [B, L*D]
    return out

if __name__ == "__main__":
    import jax
    _d = setup_inputs()
    print(jax.jit(kernel)(*tuple(_d.values())))

</pallas_src>

<mosaic_0001>
#map = affine_map<(d0, d1) -> (0)>
#map1 = affine_map<(d0, d1) -> (0, 0)>
module attributes {stable_mosaic.version = 14 : i64} {
  func.func @gather_kernel(%arg0: i32, %arg1: i32, %arg2: memref<3276800xi32, #tpu.memory_space<hbm>>, %arg3: memref<4000000x32xf32, #tpu.memory_space<hbm>>, %arg4: memref<3276800x32xf32, #tpu.memory_space<hbm>>, %arg5: memref<1600xi32, #tpu.memory_space<vmem>>, %arg6: memref<1600xi32, #tpu.memory_space<vmem>>, %arg7: memref<1600x32xf32, #tpu.memory_space<vmem>>, %arg8: memref<1600x32xf32, #tpu.memory_space<vmem>>, %arg9: memref<!tpu.dma_semaphore, #tpu.memory_space<semaphore_mem>>, %arg10: memref<!tpu.dma_semaphore, #tpu.memory_space<semaphore_mem>>, %arg11: memref<!tpu.dma_semaphore, #tpu.memory_space<semaphore_mem>>, %arg12: memref<!tpu.dma_semaphore, #tpu.memory_space<semaphore_mem>>, %arg13: memref<!tpu.dma_semaphore, #tpu.memory_space<semaphore_mem>>, %arg14: memref<!tpu.dma_semaphore, #tpu.memory_space<semaphore_mem>>) attributes {dimension_semantics = [#tpu.dimension_semantics<core_parallel>, #tpu.dimension_semantics<subcore_parallel>], iteration_bounds = array<i64: 2, 16>, scalar_prefetch = 0 : i64, scratch_operands = 10 : i64, tpu.core_type = #tpu.core_type<sc_vector_subcore>, window_params = [{transform_indices = #map}, {transform_indices = #map1}, {transform_indices = #map1}]} {
    %mul3A = arith.constant 2 : i32
    %mul3A_0 = arith.muli %arg1, %mul3A : i32
    %add3A = arith.addi %mul3A_0, %arg0 : i32
    %mul3A_1 = arith.constant 102400 : i32
    %mul3A_2 = arith.muli %add3A, %mul3A_1 : i32
    %add3A_3 = arith.constant 0 : i32
    %add3A_4 = arith.addi %mul3A_2, %add3A_3 : i32
    %dma_start3A = tpu.memref_slice %arg2[%add3A_4] : memref<3276800xi32, #tpu.memory_space<hbm>> -> memref<1600xi32, #tpu.memory_space<hbm>>
    %dma_start3A_5 = tpu.memref_slice %arg2[%add3A_4] : memref<3276800xi32, #tpu.memory_space<hbm>> -> memref<1600xi32, #tpu.memory_space<hbm>>
    tpu.enqueue_dma source(%dma_start3A_5 : memref<1600xi32, #tpu.memory_space<hbm>>) target(%arg5 : memref<1600xi32, #tpu.memory_space<vmem>>) target_semaphore(%arg9 : memref<!tpu.dma_semaphore, #tpu.memory_space<semaphore_mem>>)
    %add3A_6 = arith.constant 1600 : i32
    %add3A_7 = arith.addi %mul3A_2, %add3A_6 : i32
    %dma_start3A_8 = tpu.memref_slice %arg2[%add3A_7] : memref<3276800xi32, #tpu.memory_space<hbm>> -> memref<1600xi32, #tpu.memory_space<hbm>>
    %dma_start3A_9 = tpu.memref_slice %arg2[%add3A_7] : memref<3276800xi32, #tpu.memory_space<hbm>> -> memref<1600xi32, #tpu.memory_space<hbm>>
    tpu.enqueue_dma source(%dma_start3A_9 : memref<1600xi32, #tpu.memory_space<hbm>>) target(%arg6 : memref<1600xi32, #tpu.memory_space<vmem>>) target_semaphore(%arg10 : memref<!tpu.dma_semaphore, #tpu.memory_space<semaphore_mem>>)
    %dma_wait3A = tpu.memref_slice %arg2[%mul3A_2] : memref<3276800xi32, #tpu.memory_space<hbm>> -> memref<1600xi32, #tpu.memory_space<hbm>>
    %dma_wait3A_10 = tpu.memref_slice %arg2[%mul3A_2] : memref<3276800xi32, #tpu.memory_space<hbm>> -> memref<1600xi32, #tpu.memory_space<hbm>>
    tpu.wait_dma2 semaphore(%arg9 : memref<!tpu.dma_semaphore, #tpu.memory_space<semaphore_mem>>) src(%dma_wait3A_10 : memref<1600xi32, #tpu.memory_space<hbm>>) dst(%arg5 : memref<1600xi32, #tpu.memory_space<vmem>>)
    %dma_start3A_11 = arith.constant 0 : i32
    %dma_start3A_12 = arith.constant 0 : i32
    %dma_start3A_13 = tpu.memref_slice %arg3[%dma_start3A_11, %dma_start3A_12] : memref<4000000x32xf32, #tpu.memory_space<hbm>> -> memref<4000000x32xf32, #tpu.memory_space<hbm>>
    tpu.enqueue_indirect_dma source(%dma_start3A_13 : memref<4000000x32xf32, #tpu.memory_space<hbm>>) target(%arg7 : memref<1600x32xf32, #tpu.memory_space<vmem>>) offsets(%arg5 : memref<1600xi32, #tpu.memory_space<vmem>>) semaphore(%arg11 : memref<!tpu.dma_semaphore, #tpu.memory_space<semaphore_mem>>)
    %scan3A = arith.constant 0 : i32
    %scan3A_14 = arith.constant 0 : i32
    %scan3A_15 = arith.constant 32 : i32
    %scan3A_16 = arith.addi %scan3A_14, %scan3A_15 : i32
    %scan3A_17 = arith.constant 1 : i32
    scf.for %scan3A_27 = %scan3A_14 to %scan3A_16 step %scan3A_17  : i32 {
      %ge3A = arith.constant 1 : i32
      %ge3A_28 = arith.cmpi sge, %scan3A_27, %ge3A : i32
      %convert_element_type3A = arith.extui %ge3A_28 : i1 to i32
      %cond3A = arith.constant 0 : i32
      %cond3A_29 = arith.cmpi ne, %convert_element_type3A, %cond3A : i32
      scf.if %cond3A_29 {
        %dma_wait3A_75 = arith.constant 0 : i32
        %dma_wait3A_76 = tpu.memref_slice %arg4[%mul3A_2, %dma_wait3A_75] : memref<3276800x32xf32, #tpu.memory_space<hbm>> -> memref<1600x32xf32, #tpu.memory_space<hbm>>
        %dma_wait3A_77 = arith.constant 0 : i32
        %dma_wait3A_78 = tpu.memref_slice %arg4[%mul3A_2, %dma_wait3A_77] : memref<3276800x32xf32, #tpu.memory_space<hbm>> -> memref<1600x32xf32, #tpu.memory_space<hbm>>
        tpu.wait_dma2 semaphore(%arg14 : memref<!tpu.dma_semaphore, #tpu.memory_space<semaphore_mem>>) src(%arg8 : memref<1600x32xf32, #tpu.memory_space<vmem>>) dst(%dma_wait3A_78 : memref<1600x32xf32, #tpu.memory_space<hbm>>)
      } else {
      }
      %dma_wait3A_30 = tpu.memref_slice %arg2[%mul3A_2] : memref<3276800xi32, #tpu.memory_space<hbm>> -> memref<1600xi32, #tpu.memory_space<hbm>>
      %dma_wait3A_31 = tpu.memref_slice %arg2[%mul3A_2] : memref<3276800xi32, #tpu.memory_space<hbm>> -> memref<1600xi32, #tpu.memory_space<hbm>>
      tpu.wait_dma2 semaphore(%arg10 : memref<!tpu.dma_semaphore, #tpu.memory_space<semaphore_mem>>) src(%dma_wait3A_31 : memref<1600xi32, #tpu.memory_space<hbm>>) dst(%arg6 : memref<1600xi32, #tpu.memory_space<vmem>>)
      %dma_start3A_32 = arith.constant 0 : i32
      %dma_start3A_33 = arith.constant 0 : i32
      %dma_start3A_34 = tpu.memref_slice %arg3[%dma_start3A_32, %dma_start3A_33] : memref<4000000x32xf32, #tpu.memory_space<hbm>> -> memref<4000000x32xf32, #tpu.memory_space<hbm>>
      tpu.enqueue_indirect_dma source(%dma_start3A_34 : memref<4000000x32xf32, #tpu.memory_space<hbm>>) target(%arg8 : memref<1600x32xf32, #tpu.memory_space<vmem>>) offsets(%arg6 : memref<1600xi32, #tpu.memory_space<vmem>>) semaphore(%arg12 : memref<!tpu.dma_semaphore, #tpu.memory_space<semaphore_mem>>)
      %dma_wait3A_35 = arith.constant 0 : i32
      %dma_wait3A_36 = arith.constant 0 : i32
      %dma_wait3A_37 = tpu.memref_slice %arg3[%dma_wait3A_35, %dma_wait3A_36] : memref<4000000x32xf32, #tpu.memory_space<hbm>> -> memref<4000000x32xf32, #tpu.memory_space<hbm>>
      tpu.wait_indirect_dma semaphore(%arg11 : memref<!tpu.dma_semaphore, #tpu.memory_space<semaphore_mem>>) src(%dma_wait3A_37 : memref<4000000x32xf32, #tpu.memory_space<hbm>>) dst(%arg7 : memref<1600x32xf32, #tpu.memory_space<vmem>>)
      %mul3A_38 = arith.constant 2 : i32
      %mul3A_39 = arith.muli %mul3A_38, %scan3A_27 : i32
      %mul3A_40 = arith.constant 1600 : i32
      %mul3A_41 = arith.muli %mul3A_39, %mul3A_40 : i32
      %add3A_42 = arith.addi %mul3A_2, %mul3A_41 : i32
      %dma_start3A_43 = arith.constant 0 : i32
      %dma_start3A_44 = tpu.memref_slice %arg4[%add3A_42, %dma_start3A_43] : memref<3276800x32xf32, #tpu.memory_space<hbm>> -> memref<1600x32xf32, #tpu.memory_space<hbm>>
      %dma_start3A_45 = arith.constant 0 : i32
      %dma_start3A_46 = tpu.memref_slice %arg4[%add3A_42, %dma_start3A_45] : memref<3276800x32xf32, #tpu.memory_space<hbm>> -> memref<1600x32xf32, #tpu.memory_space<hbm>>
      tpu.enqueue_dma source(%arg7 : memref<1600x32xf32, #tpu.memory_space<vmem>>) target(%dma_start3A_46 : memref<1600x32xf32, #tpu.memory_space<hbm>>) target_semaphore(%arg13 : memref<!tpu.dma_semaphore, #tpu.memory_space<semaphore_mem>>)
      %lt3A = arith.constant 31 : i32
      %lt3A_47 = arith.cmpi slt, %scan3A_27, %lt3A : i32
      %convert_element_type3A_48 = arith.extui %lt3A_47 : i1 to i32
      %cond3A_49 = arith.constant 0 : i32
      %cond3A_50 = arith.cmpi ne, %convert_element_type3A_48, %cond3A_49 : i32
      scf.if %cond3A_50 {
        %mul3A_75 = arith.constant 2 : i32
        %mul3A_76 = arith.muli %mul3A_75, %scan3A_27 : i32
        %add3A_77 = arith.constant 2 : i32
        %add3A_78 = arith.addi %mul3A_76, %add3A_77 : i32
        %mul3A_79 = arith.constant 1600 : i32
        %mul3A_80 = arith.muli %add3A_78, %mul3A_79 : i32
        %add3A_81 = arith.addi %mul3A_2, %mul3A_80 : i32
        %dma_start3A_82 = tpu.memref_slice %arg2[%add3A_81] : memref<3276800xi32, #tpu.memory_space<hbm>> -> memref<1600xi32, #tpu.memory_space<hbm>>
        %dma_start3A_83 = tpu.memref_slice %arg2[%add3A_81] : memref<3276800xi32, #tpu.memory_space<hbm>> -> memref<1600xi32, #tpu.memory_space<hbm>>
        tpu.enqueue_dma source(%dma_start3A_83 : memref<1600xi32, #tpu.memory_space<hbm>>) target(%arg5 : memref<1600xi32, #tpu.memory_space<vmem>>) target_semaphore(%arg9 : memref<!tpu.dma_semaphore, #tpu.memory_space<semaphore_mem>>)
      } else {
      }
      %lt3A_51 = arith.constant 31 : i32
      %lt3A_52 = arith.cmpi slt, %scan3A_27, %lt3A_51 : i32
      %convert_element_type3A_53 = arith.extui %lt3A_52 : i1 to i32
      %cond3A_54 = arith.constant 0 : i32
      %cond3A_55 = arith.cmpi ne, %convert_element_type3A_53, %cond3A_54 : i32
      scf.if %cond3A_55 {
        %dma_wait3A_75 = arith.constant 0 : i32
        %dma_wait3A_76 = tpu.memref_slice %arg4[%mul3A_2, %dma_wait3A_75] : memref<3276800x32xf32, #tpu.memory_space<hbm>> -> memref<1600x32xf32, #tpu.memory_space<hbm>>
        %dma_wait3A_77 = arith.constant 0 : i32
        %dma_wait3A_78 = tpu.memref_slice %arg4[%mul3A_2, %dma_wait3A_77] : memref<3276800x32xf32, #tpu.memory_space<hbm>> -> memref<1600x32xf32, #tpu.memory_space<hbm>>
        tpu.wait_dma2 semaphore(%arg13 : memref<!tpu.dma_semaphore, #tpu.memory_space<semaphore_mem>>) src(%arg7 : memref<1600x32xf32, #tpu.memory_space<vmem>>) dst(%dma_wait3A_78 : memref<1600x32xf32, #tpu.memory_space<hbm>>)
        %dma_wait3A_79 = tpu.memref_slice %arg2[%mul3A_2] : memref<3276800xi32, #tpu.memory_space<hbm>> -> memref<1600xi32, #tpu.memory_space<hbm>>
        %dma_wait3A_80 = tpu.memref_slice %arg2[%mul3A_2] : memref<3276800xi32, #tpu.memory_space<hbm>> -> memref<1600xi32, #tpu.memory_space<hbm>>
        tpu.wait_dma2 semaphore(%arg9 : memref<!tpu.dma_semaphore, #tpu.memory_space<semaphore_mem>>) src(%dma_wait3A_80 : memref<1600xi32, #tpu.memory_space<hbm>>) dst(%arg5 : memref<1600xi32, #tpu.memory_space<vmem>>)
        %dma_start3A_81 = arith.constant 0 : i32
        %dma_start3A_82 = arith.constant 0 : i32
        %dma_start3A_83 = tpu.memref_slice %arg3[%dma_start3A_81, %dma_start3A_82] : memref<4000000x32xf32, #tpu.memory_space<hbm>> -> memref<4000000x32xf32, #tpu.memory_space<hbm>>
        tpu.enqueue_indirect_dma source(%dma_start3A_83 : memref<4000000x32xf32, #tpu.memory_space<hbm>>) target(%arg7 : memref<1600x32xf32, #tpu.memory_space<vmem>>) offsets(%arg5 : memref<1600xi32, #tpu.memory_space<vmem>>) semaphore(%arg11 : memref<!tpu.dma_semaphore, #tpu.memory_space<semaphore_mem>>)
      } else {
      }
      %dma_wait3A_56 = arith.constant 0 : i32
      %dma_wait3A_57 = arith.constant 0 : i32
      %dma_wait3A_58 = tpu.memref_slice %arg3[%dma_wait3A_56, %dma_wait3A_57] : memref<4000000x32xf32, #tpu.memory_space<hbm>> -> memref<4000000x32xf32, #tpu.memory_space<hbm>>
      tpu.wait_indirect_dma semaphore(%arg12 : memref<!tpu.dma_semaphore, #tpu.memory_space<semaphore_mem>>) src(%dma_wait3A_58 : memref<4000000x32xf32, #tpu.memory_space<hbm>>) dst(%arg8 : memref<1600x32xf32, #tpu.memory_space<vmem>>)
      %mul3A_59 = arith.constant 2 : i32
      %mul3A_60 = arith.muli %mul3A_59, %scan3A_27 : i32
      %add3A_61 = arith.constant 1 : i32
      %add3A_62 = arith.addi %mul3A_60, %add3A_61 : i32
      %mul3A_63 = arith.constant 1600 : i32
      %mul3A_64 = arith.muli %add3A_62, %mul3A_63 : i32
      %add3A_65 = arith.addi %mul3A_2, %mul3A_64 : i32
      %dma_start3A_66 = arith.constant 0 : i32
      %dma_start3A_67 = tpu.memref_slice %arg4[%add3A_65, %dma_start3A_66] : memref<3276800x32xf32, #tpu.memory_space<hbm>> -> memref<1600x32xf32, #tpu.memory_space<hbm>>
      %dma_start3A_68 = arith.constant 0 : i32
      %dma_start3A_69 = tpu.memref_slice %arg4[%add3A_65, %dma_start3A_68] : memref<3276800x32xf32, #tpu.memory_space<hbm>> -> memref<1600x32xf32, #tpu.memory_space<hbm>>
      tpu.enqueue_dma source(%arg8 : memref<1600x32xf32, #tpu.memory_space<vmem>>) target(%dma_start3A_69 : memref<1600x32xf32, #tpu.memory_space<hbm>>) target_semaphore(%arg14 : memref<!tpu.dma_semaphore, #tpu.memory_space<semaphore_mem>>)
      %lt3A_70 = arith.constant 31 : i32
      %lt3A_71 = arith.cmpi slt, %scan3A_27, %lt3A_70 : i32
      %convert_element_type3A_72 = arith.extui %lt3A_71 : i1 to i32
      %cond3A_73 = arith.constant 0 : i32
      %cond3A_74 = arith.cmpi ne, %convert_element_type3A_72, %cond3A_73 : i32
      scf.if %cond3A_74 {
        %mul3A_75 = arith.constant 2 : i32
        %mul3A_76 = arith.muli %mul3A_75, %scan3A_27 : i32
        %add3A_77 = arith.constant 3 : i32
        %add3A_78 = arith.addi %mul3A_76, %add3A_77 : i32
        %mul3A_79 = arith.constant 1600 : i32
        %mul3A_80 = arith.muli %add3A_78, %mul3A_79 : i32
        %add3A_81 = arith.addi %mul3A_2, %mul3A_80 : i32
        %dma_start3A_82 = tpu.memref_slice %arg2[%add3A_81] : memref<3276800xi32, #tpu.memory_space<hbm>> -> memref<1600xi32, #tpu.memory_space<hbm>>
        %dma_start3A_83 = tpu.memref_slice %arg2[%add3A_81] : memref<3276800xi32, #tpu.memory_space<hbm>> -> memref<1600xi32, #tpu.memory_space<hbm>>
        tpu.enqueue_dma source(%dma_start3A_83 : memref<1600xi32, #tpu.memory_space<hbm>>) target(%arg6 : memref<1600xi32, #tpu.memory_space<vmem>>) target_semaphore(%arg10 : memref<!tpu.dma_semaphore, #tpu.memory_space<semaphore_mem>>)
      } else {
      }
    }
    %scan3A_18 = arith.constant 32 : i32
    %dma_wait3A_19 = arith.constant 0 : i32
    %dma_wait3A_20 = tpu.memref_slice %arg4[%mul3A_2, %dma_wait3A_19] : memref<3276800x32xf32, #tpu.memory_space<hbm>> -> memref<1600x32xf32, #tpu.memory_space<hbm>>
    %dma_wait3A_21 = arith.constant 0 : i32
    %dma_wait3A_22 = tpu.memref_slice %arg4[%mul3A_2, %dma_wait3A_21] : memref<3276800x32xf32, #tpu.memory_space<hbm>> -> memref<1600x32xf32, #tpu.memory_space<hbm>>
    tpu.wait_dma2 semaphore(%arg13 : memref<!tpu.dma_semaphore, #tpu.memory_space<semaphore_mem>>) src(%arg7 : memref<1600x32xf32, #tpu.memory_space<vmem>>) dst(%dma_wait3A_22 : memref<1600x32xf32, #tpu.memory_space<hbm>>)
    %dma_wait3A_23 = arith.constant 0 : i32
    %dma_wait3A_24 = tpu.memref_slice %arg4[%mul3A_2, %dma_wait3A_23] : memref<3276800x32xf32, #tpu.memory_space<hbm>> -> memref<1600x32xf32, #tpu.memory_space<hbm>>
    %dma_wait3A_25 = arith.constant 0 : i32
    %dma_wait3A_26 = tpu.memref_slice %arg4[%mul3A_2, %dma_wait3A_25] : memref<3276800x32xf32, #tpu.memory_space<hbm>> -> memref<1600x32xf32, #tpu.memory_space<hbm>>
    tpu.wait_dma2 semaphore(%arg14 : memref<!tpu.dma_semaphore, #tpu.memory_space<semaphore_mem>>) src(%arg8 : memref<1600x32xf32, #tpu.memory_space<vmem>>) dst(%dma_wait3A_26 : memref<1600x32xf32, #tpu.memory_space<hbm>>)
    return
  }
}

module attributes {stable_mosaic.version = 14 : i64} {
  func.func @transpose_body(%arg0: i32, %arg1: memref<32x16384xf32, #tpu.memory_space<vmem>>, %arg2: memref<16384x128xf32, #tpu.memory_space<vmem>>) attributes {dimension_semantics = [#tpu.dimension_semantics<arbitrary>], iteration_bounds = array<i64: 62>, scalar_prefetch = 0 : i64, scratch_operands = 0 : i64, tpu.core_type = #tpu.core_type<tc>, window_params = [{transform_indices = @transform_0, window_bounds = array<i64: 32, 16384>}, {transform_indices = @transform_1, window_bounds = array<i64: 16384, 128>}]} {
    %get3A = arith.constant 0 : index
    %get3A_0 = arith.constant 0 : index
    %get3A_1 = vector.load %arg1[%get3A, %get3A_0] : memref<32x16384xf32, #tpu.memory_space<vmem>>, vector<32x16384xf32>
    %transpose3A = tpu.transpose %get3A_1, [1, 0] : vector<32x16384xf32> -> vector<16384x32xf32>
    %swap3A = arith.constant 0 : index
    %swap3A_2 = arith.constant 0 : index
    %swap3A_3 = vector.load %arg2[%swap3A, %swap3A_2] : memref<16384x128xf32, #tpu.memory_space<vmem>>, vector<16384x32xf32>
    tpu.vector_store %arg2[%swap3A, %swap3A_2], %transpose3A {strides = array<i32>} : memref<16384x128xf32, #tpu.memory_space<vmem>>, vector<16384x32xf32>,
    return
  }
  func.func @transform_0(%arg0: i32) -> (i32, i32) {
    %c0_i32 = arith.constant 0 : i32
    %c0_i32_0 = arith.constant 0 : i32
    return %c0_i32, %arg0 : i32, i32
  }
  func.func @transform_1(%arg0: i32) -> (i32, i32) {
    %c0_i32 = arith.constant 0 : i32
    %c0_i32_0 = arith.constant 0 : i32
    return %arg0, %c0_i32 : i32, i32
  }
}

</mosaic_0001>

<sc_bundles>
// kernel: kernel.4.cloned.1.call-start
scs
__scs_entry_jumppad:
0x0: {  	(pc) =	sbr.rel $0x88, $3  }
0x1: {  	(tag) =	ssettag $0x0;
	lr =	simm.s32 $0x1  }
0x2: {  	[smem:$0x3F9F] =	sst lr;
	_ =	strace $0xD0000000  }
0x3: {  	_ = 	snop  }
0x4: {  	_ = 	snop  }
0x5: {  	_ = 	snop  }
0x6: {  	_ = 	snop  }
0x7: {  	_ = 	snop  }
__scs_overlays_trampoline_lowered:
0x8: {  	[smem:$0x3FAE] =	sst s0  }
0x9: {  	[smem:$0x3FAF] =	sst s1  }
0xa: {  	[smem:$0x3FB0] =	sst s2  }
0xb: {  	[smem:$0x3FB1] =	sst s3  }
0xc: {  	[smem:$0x3FB2] =	sst s4  }
0xd: {  	[smem:$0x3FB3] =	sst s5  }
0xe: {  	[smem:$0x3FB4] =	sst s6  }
0xf: {  	[smem:$0x3FB5] =	sst s7  }
0x10: {  	[smem:$0x3FB6] =	sst s8  }
0x11: {  	[smem:$0x3FB7] =	sst s9;
	s0 =	simm.s32 @!p0 $0x0  }
0x12: {  	s1 =	sld [smem:$0x3F9D];
	s0 =	simm.s32 @p0 $0x1  }
0x13: {  	[smem:$0x3FB8] =	sst s0;
	s0 =	simm.s32 @!p1 $0x0  }
0x14: {  	s2 =	sld [smem:$0x3F9C];
	s0 =	simm.s32 @p1 $0x1  }
0x15: {  	[smem:$0x3FB9] =	sst s0;
	s0 =	simm.s32 @!p2 $0x0  }
0x16: {  	s3 =	sld [smem:$0x3FDB];
	s0 =	simm.s32 @p2 $0x1  }
0x17: {  	s4 =	simm.s32 $0x1BF5;
	[smem:$0x3FBB] =	sst s0  }
0x18: {  	s0 =	sld [smem:$0x3F9E];
	_ =	swait.ge [sflag:s4], $0x0  }
0x19: {  	s7 =	sld [smem:$0x3F9F]  }
0x1a: {  	s8 =	sadd.s32 $0xFFFFE003, lr  }
0x1b: {  	s9 =	sadd.s32 $0xFFFFFEF7, lr;
	s5 =	simm.s32 $0xFFFFFFFF;
	p2 =	slt.u32 s8, $0xFFFFF086  }
0x1c: {  	p1 =	slt.u32 s9, $0xF7A;
	s5 =	simm.s32 @!p2 $0x0  }
0x1d: {  	s5 =	simm.s32 @p1 $0x1;
	p0 =	seq.s32 s7, s2  }
0x1e: {  	s7 =	smul.u32 @!p0 $0xF7A, s2;
	p2 =	seq.s32 @!p0 s5, $0x0  }
0x1f: {  	s9 =	smul.u32 $0xF7A, s1;
	s8 =	simm.s32 @!p0 $0x1BF5;
	p2 =	por !p2, p0  }
0x20: {  	[sflag:s8] =	ssyncset.s32 @!p0 $0xFFFFF086;
	s6 =	sadd.s32 @!p0 s3, s7;
	s7 =	simm.s32 @!p0 $0x108  }
0x21: {  	s3 =	sadd.s32 s3, s9;
	s6 =	sadd.s32 @!p0 $0x88, s6;
	s7 =	simm.s32 @p2 $0x1082  }
0x22: {  	[simem:s7], [sflag:s8] =	dma.local @!p0 [hbm:s6], $0xF7A  }
0x23: {  	s9 =	sor.u32 $0xD0000000, s2;
	s6 =	simm.s32 $0x108;
	_ =	swait.ge @!p0 [sflag:s8], $0x0  }
0x24: {  	s3 =	sadd.s32 $0x88, s3;
	s6 =	simm.s32 @!p1 $0x1082;
	[sflag:s4] =	ssyncset.s32 $0xFFFFF086  }
0x25: {  	[simem:s6], [sflag:s4] =	dma.local [hbm:s3], $0xF7A  }
0x26: {  	[smem:$0x3F9F] =	sst s1;
	(tag) =	ssettag s2;
	_ =	strace s9  }
0x27: {  	s1 =	sld [smem:$0x3FAF]  }
0x28: {  	s2 =	sld [smem:$0x3FB0]  }
0x29: {  	s4 =	sld [smem:$0x3FB2]  }
0x2a: {  	p0 =	seq.s32 s5, $0x0;
	s5 =	sld [smem:$0x3FB3]  }
0x2b: {  	s6 =	sld [smem:$0x3FB4]  }
0x2c: {  	s7 =	sld [smem:$0x3FB5]  }
0x2d: {  	s3 =	simm.s32 $0x108;
	s8 =	sld [smem:$0x3FB6]  }
0x2e: {  	s3 =	simm.s32 @!p0 $0x1082;
	s9 =	sld [smem:$0x3FB7]  }
0x2f: {  	lr =	sadd.s32 s0, s3;
	s0 =	sld [smem:$0x3FAE]  }
0x30: {  	s3 =	sld [smem:$0x3FB1]  }
0x31: {  	[smem:$0x3FBA] =	sst s10  }
0x32: {  	s10 =	sld [smem:$0x3FB8];
	_ =	sdelay $0x3  }
0x33: {  	p0 =	seq.s32 s10, $0x1;
	s10 =	sld [smem:$0x3FBA];
	_ =	sdelay $0x3  }
0x34: {  	[smem:$0x3FBA] =	sst s10  }
0x35: {  	s10 =	sld [smem:$0x3FB9];
	_ =	sdelay $0x3  }
0x36: {  	p1 =	seq.s32 s10, $0x1;
	s10 =	sld [smem:$0x3FBA];
	_ =	sdelay $0x3  }
0x37: {  	[smem:$0x3FBA] =	sst s10  }
0x38: {  	s10 =	sld [smem:$0x3FBB]  }
0x39: {  	_ = 	snop;
	(pc) =	sbr.ind lr, $3  }
0x3a: {  	_ = 	snop  }
0x3b: {  	_ = 	snop  }
0x3c: {  	p2 =	seq.s32 s10, $0x1;
	s10 =	sld [smem:$0x3FBA]  }
0x3d: {  	_ =	shalt  }
0x3e: {  	_ =	shalt  }
0x3f: {  	_ =	shalt  }
0x40: {  	_ =	shalt  }
0x41: {  	_ =	shalt  }
0x42: {  	_ =	shalt  }
0x43: {  	_ =	shalt  }
0x44: {  	_ =	shalt  }
0x45: {  	_ =	shalt  }
0x46: {  	_ =	shalt  }
0x47: {  	_ =	shalt  }
0x48: {  	_ =	shalt  }
0x49: {  	_ =	shalt  }
0x4a: {  	_ =	shalt  }
0x4b: {  	_ =	shalt  }
0x4c: {  	_ =	shalt  }
0x4d: {  	_ =	shalt  }
0x4e: {  	_ =	shalt  }
0x4f: {  	_ =	shalt  }
0x50: {  	_ =	shalt  }
0x51: {  	_ =	shalt  }
0x52: {  	_ =	shalt  }
0x53: {  	_ =	shalt  }
0x54: {  	_ =	shalt  }
0x55: {  	_ =	shalt  }
0x56: {  	_ =	shalt  }
0x57: {  	_ =	shalt  }
0x58: {  	_ =	shalt  }
0x59: {  	_ =	shalt  }
0x5a: {  	_ =	shalt  }
0x5b: {  	_ =	shalt  }
0x5c: {  	_ =	shalt  }
0x5d: {  	_ =	shalt  }
0x5e: {  	_ =	shalt  }
0x5f: {  	_ =	shalt  }
0x60: {  	_ =	shalt  }
0x61: {  	_ =	shalt  }
0x62: {  	_ =	shalt  }
0x63: {  	_ =	shalt  }
0x64: {  	_ =	shalt  }
0x65: {  	_ =	shalt  }
0x66: {  	_ =	shalt  }
0x67: {  	_ =	shalt  }
0x68: {  	_ =	shalt  }
0x69: {  	_ =	shalt  }
0x6a: {  	_ =	shalt  }
0x6b: {  	_ =	shalt  }
0x6c: {  	_ =	shalt  }
0x6d: {  	_ =	shalt  }
0x6e: {  	_ =	shalt  }
0x6f: {  	_ =	shalt  }
0x70: {  	_ =	shalt  }
0x71: {  	_ =	shalt  }
0x72: {  	_ =	shalt  }
0x73: {  	_ =	shalt  }
0x74: {  	_ =	shalt  }
0x75: {  	_ =	shalt  }
0x76: {  	_ =	shalt  }
0x77: {  	_ =	shalt  }
0x78: {  	_ =	shalt  }
0x79: {  	_ =	shalt  }
0x7a: {  	_ =	shalt  }
0x7b: {  	_ =	shalt  }
0x7c: {  	_ =	shalt  }
0x7d: {  	_ =	shalt  }
0x7e: {  	_ =	shalt  }
0x7f: {  	_ =	shalt  }
0x80: {  	_ =	shalt  }
0x81: {  	_ =	shalt  }
0x82: {  	_ =	shalt  }
0x83: {  	_ =	shalt  }
0x84: {  	_ =	shalt  }
0x85: {  	_ =	shalt  }
0x86: {  	_ =	shalt  }
0x87: {  	_ =	shalt  }
.Lfunc_end0:
.L_simem_size_0:
called_computation_lowered:
.L_overlay_start_0:
0x88: {  	s2 =	sld [smem:$0x3FD9]  }
0x89: {  	s3 =	sld [smem:$0x3FFE];
	_ =	sdelay $0x1  }
0x8a: {  	s1 =	srdreg.scid  }
0x8b: {  	s0 =	sand.u32 $0x1, s1  }
0x8c: {  	s17 =	sshll.u32 s0, $0xA;
	s2 =	sadd.s32 s3, s2  }
0x8d: {  	s2 =	sadd.s32 s2, s17  }
0x8e: {  	[smem:$0x3FC6] =	sst s2  }
0x8f: {  	_ = 	snop  }
0x90: {  	s2 =	sld [smem:$0x3FD0];
	(tm) =	ssettm $0x1  }
0x91: {  	s18 =	sld [smem:$0x3FFB];
	_ =	sdelay $0x3  }
0x92: {  	_ =	strace s18  }
0x93: {  	s3 =	sld [smem:$0x3FFC];
	_ =	sdelay $0x3  }
0x94: {  	_ =	strace s3  }
0x95: {  	s3 =	sld [smem:$0x3FFD];
	_ =	sdelay $0x3  }
0x96: {  	_ =	strace s3  }
0x97: {  	_ =	strace $0x8FFFFFFF  }
0x98: {  	s19 =	sld [smem:$0x3FDB];
	_ =	sdelay $0x1  }
0x99: {  	s4 =	simm.s32 $_scs_section_size  }
0x9a: {  	s5 =	simm.s32 $_size__tile_overlayer_lowered;
	s6 =	simm.s32 $_tile_overlayer_lowered  }
0x9b: {  	s22 =	simm.s32 $0x1BFF;
	s21 =	sshll.u32 s6, $0x1;
	s3 =	sadd.s32 s4, s19  }
0x9c: {  	s7 =	simm.s32 $0x0;
	s20 =	sshll.u32 s5, $0x1;
	s5 =	sadd.s32 s21, s3  }
0x9d: {  	[timem:s7], [sflag:s22] =	dma.local [hbm:s5], s20  }
0x9e: {  	_ =	swait.ge [sflag:s22], s20  }
0x9f: {  	s4 =	ssub.s32 $0x0, s20;
	[sflag:s22] =	ssyncset.done $0x0  }
0xa0: {  	[sflag:s22] =	ssyncadd.s32 s4;
	_ =	sdelay $0x1  }
0xa1: {  	s23 =	simm.s32 $0x1B8B  }
0xa2: {  	_ =	swait.ge [sflag:s23], $0x1  }
0xa3: {  	[sflag:s23] =	ssyncset.done $0x0  }
0xa4: {  	s25 =	simm.s32 $0x1B8E;
	s24 =	sld [smem:$0x3FFE];
	[sflag:s23] =	ssyncadd.s32 $0xFFFFFFFF  }
0xa5: {  	s26 =	simm.s32 $execute0_lowered;
	[smem:$0x3FD2] =	sst s25  }
0xa6: {  	s5 =	sshll.u32 s26, $0x1;
	_ =	strace $0x80000046;
	[dreg:$0x1] =	wrdreg $0xFFFFFFFF  }
0xa7: {  	s28 =	simm.s32 $_size_execute0_lowered;
	s3 =	sadd.s32 s3, s5;
	[dreg:$0x0] =	wrdreg $0x0  }
0xa8: {  	s5 =	sshll.u32 s28, $0x1;
	[dreg:$0x2] =	wrdreg s3  }
0xa9: {  	[dreg:$0x3] =	wrdreg s5  }
0xaa: {  	[dreg:$0x4] =	wrdreg $0xC0  }
0xab: {  	_ =	task [dreg:s7], $0x5FFFF  }
0xac: {  	[dreg:$0x1] =	wrdreg $0xFFFFFFFF  }
0xad: {  	[dreg:$0x0] =	wrdreg $0x60  }
0xae: {  	[dreg:$0x2] =	wrdreg s2  }
0xaf: {  	[dreg:$0x3] =	wrdreg s24  }
0xb0: {  	[dreg:$0x4] =	wrdreg $0x9  }
0xb1: {  	_ =	task.clear_ibuf [dreg:s7], $0x5FFFF;
	_ =	strace $0x90000046  }
0xb2: {  	s29 =	simm.s32 $0x9;
	_ =	strace $0x80000048  }
0xb3: {  	_ =	swait.ge [sflag:s29], $0x1  }
0xb4: {  	[sflag:s29] =	ssyncadd.s32 $0xFFFFFFFF  }
0xb5: {  	_ =	strace $0x90000048  }
0xb6: {  	_ =	sfence  }
0xb7: {  	s30 =	sld [smem:$0x0];
	_ =	sdelay $0x2  }
0xb8: {  	s31 =	sshll.u32 s1, $0xD;
	s1 =	sshrl.u32 s1, $0x2  }
0xb9: {  	s3 =	sand.u32 $0x4000, s31;
	s1 =	sadd.s32 s1, s30  }
0xba: {  	s0 =	sor.u32 s3, s0;
	s1 =	sshll.u32 s1, $0x11  }
0xbb: {  	s0 =	sor.u32 s1, s0  }
0xbc: {  	s0 =	sadd.s32 $0x8F2B, s0  }
0xbd: {  	[sflag:s0] =	ssyncadd.remote.s32 $0x1  }
0xbe: {  	_ =	sfence.sel $0xFFFF  }
0xbf: {  	[dreg:$0x0] =	wrdreg $0xFFFFFFFF;
	(pc) =	sbr.abs _section_cstart, $3  }
0xc0: {  	[dreg:$0x1] =	wrdreg $0xFFFFFFFF  }
0xc1: {  	_ =	task.clear_ibuf [dreg:s7], $0x2FFFF;
	_ =	strace $0x9FFFFFFF  }
0xc2: {  	(tm) =	ssettm $0x7FFFFFFF  }
0xc3: {  	_ =	shalt  }
tec
execute0_lowered:
.L_overlay_start_1:
0x0: {  	(tag) =	ssettag $0x1  }
0x1: {  	s13 =	rddreg [dreg:$0x0]  }
0x2: {  	s4 =	rddreg [dreg:$0x1]  }
0x3: {  	s0 =	rddreg [dreg:$0x2];
	s3 =	srdreg.scid  }
0x4: {  	s1 =	stileid.u32;
	s2 =	simm.s32 $0x0;
	s19 =	simm.s32 $0xD480  }
0x5: {  	s20 =	simm.s32 $0x3;
	s21 =	simm.s32 $0x5;
	s22 =	simm.s32 $0x4  }
0x6: {  	s23 =	simm.s32 $0x6;
	s12 =	sand.u32 $0x1, s3;
	s26 =	smul.u32 $0x32000, s1  }
0x7: {  	s24 =	sshll.u32 s1, $0x1;
	[smem:$0x7FF] =	sst s2;
	s16 =	smul.u32 $0xC8000, s1  }
0x8: {  	s3 =	sadd.s32 $0x400, s4;
	s14 =	sadd.s32 $0xF42800, s4;
	s11 =	smul.u32 $0x19000, s12  }
0x9: {  	s5 =	sor.u32 s12, s24;
	s25 =	ssub.s32 $0x2, s12;
	s18 =	smul.u32 $0x64000, s12  }
0xa: {  	_ =	strace $0x80000047;
	s6 =	smul.u32 $0x19000, s5;
	s7 =	sshrl.u32 s25, $0x1  }
0xb: {  	s24 =	simm.s32 $0x0;
	s9 =	smul.u32 $0x64000, s5;
	s7 =	ssub.s32 s25, s7  }
0xc: {  	s30 =	sadd.s32 s11, s26;
	s8 =	sshrl.u32 s6, $0x3;
	s10 =	sor.u32 $0xC80, s6  }
0xd: {  	s15 =	sshll.u32 s6, $0x2;
	s6 =	smax.u32 s7, $0x1;
	s7 =	sadd.s32 s14, s9  }
0xe: {  	s11 =	sadd.s32 $0x1F40, s30;
	s17 =	sshll.u32 s30, $0x2;
	s4 =	sadd.s32 s13, s8  }
0xf: {  	s28 =	sshrl.u32 s10, $0x3;
	s29 =	sadd.s32 s15, s14;
	s11 =	sshrl.u32 s11, $0x3  }
0x10: {  	s31 =	sadd.s32 s14, s17;
	s15 =	sadd.s32 $0x1900, s30;
	s14 =	sadd.s32 s16, s14  }
.Ltmp0:
0x11: {  	s16 =	simm.s32 $0x1;
	s17 =	simm.s32 $0xC80;
	(pc) =	sbr.rel .LBB2_1-.Ltmp0, $4  }
0x12: {  	s5 =	sadd.s32 $0xC8, s4;
	s8 =	sadd.s32 s13, s28;
	s9 =	sadd.s32 $0x1900, s29  }
0x13: {  	s10 =	sadd.s32 $0x258, s4;
	s11 =	sadd.s32 s11, s13;
	s12 =	sadd.s32 $0x4B00, s31  }
0x14: {  	s15 =	sshrl.u32 s15, $0x3;
	s14 =	sadd.s32 s18, s14;
	s18 =	simm.s32 $0x2  }
0x15: {  	s13 =	sadd.s32 s15, s13;
	s14 =	sadd.s32 $0x3200, s14;
	s15 =	simm.s32 $0x640  }
.LBB2_4:
0x16: {  	s24 =	sadd.s32 $0x1, s24  }
0x17: {  	_ =	swait.ge [sflag:s21], $0xC800;
	p0 =	sne.s32 s24, s6  }
.Ltmp1:
0x18: {  	[sflag:s21] =	ssyncset.done $0x0;
	(pc) =	sbr.rel @!p0 .LBB2_5-.Ltmp1, $4  }
0x19: {  	[sflag:s21] =	ssyncadd.s32 $0xFFFF3800  }
0x1a: {  	_ =	swait.ge [sflag:s23], $0xC800  }
0x1b: {  	[sflag:s23] =	ssyncset.done $0x0  }
0x1c: {  	[sflag:s23] =	ssyncadd.s32 $0xFFFF3800  }
.LBB2_1:
0x1d: {  	[tilespmem:s2], [sflag:$0x1] =	stream.linear.gather [hbm4b:s4+s2], $0x640, $0x38;
	[tilespmem:$0x19C80] =	vst v63  }
0x1e: {  	_ = 	snop  }
0x1f: {  	[tilespmem:s15], [sflag:$0x2] =	stream.linear.gather [hbm4b:s5+s2], $0x640, $0x38;
	[tilespmem:$0x19C80] =	vst v63  }
0x20: {  	_ =	swait.ge [sflag:s16], $0x640  }
0x21: {  	[sflag:s16] =	ssyncset.done $0x0  }
0x22: {  	[sflag:s16] =	ssyncadd.s32 $0xFFFFF9C0  }
0x23: {  	[tilespmem:s17], [sflag:$0x3] =	stream.indirect.gather [hbm4b:s3+s15], $0x20, s2, s15, $0xb8;
	[tilespmem:$0x19C80] =	vst v63  }
0x24: {  	_ =	swait.ge [sflag:s18], $0x640  }
0x25: {  	[sflag:s18] =	ssyncset.done $0x0  }
0x26: {  	[sflag:s18] =	ssyncadd.s32 $0xFFFFF9C0  }
0x27: {  	[tilespmem:s19], [sflag:$0x4] =	stream.indirect.gather [hbm4b:s3+s15], $0x20, s15, s15, $0xb8;
	[tilespmem:$0x19C80] =	vst v63  }
0x28: {  	_ =	swait.ge [sflag:s20], $0xC800  }
0x29: {  	[sflag:s20] =	ssyncset.done $0x0  }
0x2a: {  	[sflag:s20] =	ssyncadd.s32 $0xFFFF3800  }
0x2b: {  	[hbm4b:s7+s2] =	stream.linear.scatter [tilespmem:s17], [sflag:$0x5], $0xC800, $0x38;
	[tilespmem:$0x19C80] =	vst v63  }
0x2c: {  	_ = 	snop  }
0x2d: {  	[tilespmem:s2], [sflag:$0x1] =	stream.linear.gather [hbm4b:s8+s2], $0x640, $0x38;
	[tilespmem:$0x19C80] =	vst v63  }
0x2e: {  	_ =	swait.ge [sflag:s21], $0xC800  }
0x2f: {  	[sflag:s21] =	ssyncset.done $0x0  }
0x30: {  	[sflag:s21] =	ssyncadd.s32 $0xFFFF3800  }
0x31: {  	_ =	swait.ge [sflag:s16], $0x640  }
0x32: {  	[sflag:s16] =	ssyncset.done $0x0  }
0x33: {  	[sflag:s16] =	ssyncadd.s32 $0xFFFFF9C0  }
0x34: {  	[tilespmem:s17], [sflag:$0x3] =	stream.indirect.gather [hbm4b:s3+s15], $0x20, s2, s15, $0xb8;
	[tilespmem:$0x19C80] =	vst v63  }
0x35: {  	_ =	swait.ge [sflag:s22], $0xC800  }
0x36: {  	[sflag:s22] =	ssyncset.done $0x0  }
0x37: {  	[sflag:s22] =	ssyncadd.s32 $0xFFFF3800  }
0x38: {  	[hbm4b:s9+s2] =	stream.linear.scatter [tilespmem:s19], [sflag:$0x6], $0xC800, $0x38;
	[tilespmem:$0x19C80] =	vst v63  }
0x39: {  	s25 =	smov.u32 s14;
	s26 =	smov.u32 s12;
	s28 =	simm.s32 $0x0  }
0x3a: {  	[tilespmem:s15], [sflag:$0x2] =	stream.linear.gather [hbm4b:s10+s2], $0x640, $0x38;
	[tilespmem:$0x19C80] =	vst v63  }
.LBB2_2:
0x3b: {  	_ =	swait.ge [sflag:s23], $0xC800  }
0x3c: {  	[sflag:s23] =	ssyncset.done $0x0  }
0x3d: {  	[sflag:s23] =	ssyncadd.s32 $0xFFFF3800  }
0x3e: {  	_ =	swait.ge [sflag:s18], $0x640  }
0x3f: {  	[sflag:s18] =	ssyncset.done $0x0  }
0x40: {  	[sflag:s18] =	ssyncadd.s32 $0xFFFFF9C0  }
0x41: {  	[tilespmem:s19], [sflag:$0x4] =	stream.indirect.gather [hbm4b:s3+s15], $0x20, s15, s15, $0xb8;
	[tilespmem:$0x19C80] =	vst v63  }
0x42: {  	_ =	swait.ge [sflag:s20], $0xC800  }
0x43: {  	[sflag:s20] =	ssyncset.done $0x0  }
0x44: {  	p0 =	seq.s32 s28, $0x2EE0;
	[sflag:s20] =	ssyncadd.s32 $0xFFFF3800  }
0x45: {  	[hbm4b:s25+s2] =	stream.linear.scatter [tilespmem:s17], [sflag:$0x5], $0xC800, $0x38;
	[tilespmem:$0x19C80] =	vst v63  }
0x46: {  	s29 =	sadd.s32 @!p0 s28, s13;
	s30 =	simm.s32 @!p0 $0x0  }
0x47: {  	[tilespmem:s30], [sflag:$0x1] =	stream.linear.gather @!p0 [hbm4b:s29+s30], $0x640, $0x38;
	[tilespmem:$0x19C80] =	vst v63  }
0x48: {  	s29 =	simm.s32 @!p0 $0x5  }
0x49: {  	_ =	swait.ge @!p0 [sflag:s29], $0xC800  }
0x4a: {  	[sflag:s29] =	ssyncset.done @!p0 $0x0  }
0x4b: {  	[sflag:s29] =	ssyncadd.s32 @!p0 $0xFFFF3800;
	s29 =	simm.s32 @!p0 $0x1  }
0x4c: {  	_ =	swait.ge @!p0 [sflag:s29], $0x640  }
0x4d: {  	[sflag:s29] =	ssyncset.done @!p0 $0x0  }
0x4e: {  	s31 =	simm.s32 @!p0 $0xC80;
	[sflag:s29] =	ssyncadd.s32 @!p0 $0xFFFFF9C0;
	s29 =	simm.s32 @!p0 $0x640  }
0x4f: {  	[tilespmem:s31], [sflag:$0x3] =	stream.indirect.gather @!p0 [hbm4b:s3+s29], $0x20, s30, s29, $0xb8;
	[tilespmem:$0x19C80] =	vst v63  }
.Ltmp2:
0x50: {  	_ = 	snop;
	(pc) =	sbr.rel @p0 .LBB2_4-.Ltmp2, $4  }
0x51: {  	_ =	swait.ge [sflag:s22], $0xC800  }
0x52: {  	[sflag:s22] =	ssyncset.done $0x0  }
0x53: {  	[sflag:s22] =	ssyncadd.s32 $0xFFFF3800  }
0x54: {  	[hbm4b:s26+s2] =	stream.linear.scatter [tilespmem:s19], [sflag:$0x6], $0xC800, $0x38;
	[tilespmem:$0x19C80] =	vst v63  }
.Ltmp3:
0x55: {  	(pc) =	sbr.rel .LBB2_2-.Ltmp3, $4  }
0x56: {  	_ = 	snop  }
0x57: {  	s29 =	sadd.s32 s28, s11  }
0x58: {  	s28 =	sadd.s32 $0x190, s28;
	s26 =	sadd.s32 $0x3200, s26;
	s25 =	sadd.s32 $0x3200, s25  }
0x59: {  	[tilespmem:s15], [sflag:$0x2] =	stream.linear.gather [hbm4b:s29+s2], $0x640, $0x38;
	[tilespmem:$0x19C80] =	vst v63  }
.LBB2_5:
0x5a: {  	_ =	sfence.sel $0x180000  }
0x5b: {  	[bflag:$0x0] =	sbarrier.arrive $0xFFFF  }
0x5c: {  	p0 =	sne.s32 s1, $0x0;
	_ =	strace $0x90000047  }
0x5d: {  	s0 =	sadd.s32 @!p0 $0x100000, s0;
	[bflag:$0x2] =	sbarrier.arrive $0xFFFF  }
0x5e: {  	[sflag:s0] =	ssyncadd.tile.s32 @!p0 $0x1;
	_ =	shalt  }
.Lfunc_end2:
_tile_overlayer_lowered:
.L_overlay_start_2:
0x5f: {  	(tag) =	ssettag $0x2  }
0x60: {  	s0 =	rddreg [dreg:$0x0];
	s2 =	stileid.u32  }
0x61: {  	s1 =	rddreg [dreg:$0x1];
	p0 =	sne.s32 s2, $0x0  }
0x62: {  	s3 =	rddreg [dreg:$0x2];
	[bflag:$0x3] =	sbarrier.arrive $0xFFFF;
	s2 =	simm.s32 @!p0 $0x1C07  }
0x63: {  	[timem:s3], [sflag:s2] =	dma.local @!p0 [hbm:s0], s1  }
0x64: {  	s0 =	simm.s32 @!p0 $0x7  }
0x65: {  	_ =	swait.ge @!p0 [sflag:s0], s1  }
0x66: {  	s1 =	ssub.s32 @!p0 $0x0, s1;
	[sflag:s0] =	ssyncset.done @!p0 $0x0  }
0x67: {  	[sflag:s0] =	ssyncadd.s32 @!p0 s1  }
0x68: {  	[bflag:$0x3] =	sbarrier.arrive $0xFFFF  }
0x69: {  	_ =	shalt  }

</sc_bundles>
